<compile_context>
chip_gen: v7x
topology: tpu7x:2x2x1
jax: 0.10.2.dev20260603
libtpu: 0.0.44.dev20260713+nightly
codegen_flags: <defaults>
</compile_context>

<pallas_src>
import functools

import jax
import jax.numpy as jnp
from jax import lax
from jax.experimental import pallas as pl
from jax.experimental.pallas import tpu as pltpu
from jax.experimental.pallas import tpu_sc as plsc

_NUM_STEPS = 1000
_DIM = 128
_BATCH = 16384

_NC = 2
_NS = 16
_NW = _NC * _NS
_CHUNKS = 4


def _mlp_table_kernel(e_ref, w1_ref, b1_ref, w2_ref, b2_ref, o_ref):
    dn = (((1,), (1,)), ((), ()))
    h = lax.dot_general(e_ref[...], w1_ref[...], dn,
                        preferred_element_type=jnp.float32)
    h = h + b1_ref[...]
    h = h * jax.nn.sigmoid(h)
    g = lax.dot_general(h, w2_ref[...], dn,
                        preferred_element_type=jnp.float32)
    g = g + b2_ref[...]
    o_ref[...] = g * jax.nn.sigmoid(g)


def _transform_table(embedding, W1, b1, W2, b2):
    return pl.pallas_call(
        _mlp_table_kernel,
        out_shape=jax.ShapeDtypeStruct((_NUM_STEPS, _DIM), jnp.float32),
    )(embedding, W1, b1.reshape(1, _DIM), W2, b2.reshape(1, _DIM))


def _make_sc_gather(batch, dim):
    b_per_w = batch // _NW
    rows_per_chunk = b_per_w // _CHUNKS
    mesh = plsc.VectorSubcoreMesh(core_axis_name="c", subcore_axis_name="s")

    @functools.partial(
        pl.kernel,
        mesh=mesh,
        out_type=jax.ShapeDtypeStruct((batch, dim), jnp.float32),
        scratch_types=[
            pltpu.VMEM((_CHUNKS, rows_per_chunk), jnp.int32),
            [pltpu.VMEM((rows_per_chunk, dim), jnp.float32)
             for _ in range(_CHUNKS)],
            [pltpu.SemaphoreType.DMA for _ in range(_CHUNKS)],
            pltpu.VMEM_SHARED((_NUM_STEPS, dim), jnp.float32),
            pltpu.SemaphoreType.DMA,
            pltpu.SemaphoreType.DMA,
        ],
    )
    def gather(table_hbm, idx_hbm, out_hbm, idx_v, bufs, gsems, shared_t,
               wsem, isem):
        cid = lax.axis_index("c")
        sid = lax.axis_index("s")
        wid = sid * _NC + cid
        base = wid * b_per_w
        idx_cp = pltpu.async_copy(
            idx_hbm.at[pl.ds(wid * _CHUNKS, _CHUNKS)], idx_v, isem)
        @pl.when(sid == 0)
        def _():
            pltpu.sync_copy(table_hbm, shared_t)
        idx_cp.wait()
        plsc.subcore_barrier()
        gathers = [
            pltpu.async_copy(shared_t.at[idx_v.at[c]], bufs[c], gsems[c])
            for c in range(_CHUNKS)
        ]
        writes = [None] * _CHUNKS
        for c in range(_CHUNKS):
            gathers[c].wait()
            writes[c] = pltpu.async_copy(
                bufs[c],
                out_hbm.at[pl.ds(base + c * rows_per_chunk, rows_per_chunk)],
                wsem)
        for c in range(_CHUNKS):
            writes[c].wait()

    return gather


_sc_gather = _make_sc_gather(_BATCH, _DIM)
_ROWS_PER_CHUNK = (_BATCH // _NW) // _CHUNKS


def kernel(diffusion_step, embedding, W1, b1, W2, b2):
    table = _transform_table(embedding, W1, b1, W2, b2)
    idx = diffusion_step.astype(jnp.int32).reshape(
        _BATCH // _ROWS_PER_CHUNK, _ROWS_PER_CHUNK)
    return _sc_gather(table, idx)

# --- scband reference (transcript-rebuilt; emitter-appended) ---
"""Pipeline reference for scband-high-pass-window-embedding-35167192220190 (READ-ONLY COPY).

The authoritative reference and input builder live on the scoring server;
editing this copy changes nothing except your own understanding.
"""

import jax, jax.numpy as jnp
import numpy as np

NUM_STEPS = 1000
EMBED_DIM = 128
PROJ_DIM = 128
SIGMA = 0.1
GAMMA = 0.1
N_EXP = 1.0
MAX_FREQ = 100.0
BATCH = 16384


def _build_embedding():
    freq_bands = jnp.linspace(1.0, MAX_FREQ, EMBED_DIM)
    t = jnp.arange(NUM_STEPS, dtype=jnp.float32)
    t_scaled = t * (SIGMA ** 2) * GAMMA + 1e-07
    cutoff = t_scaled ** (-1.0 / N_EXP)
    freq_weights = jnp.exp(-(freq_bands[None, :] ** 2) / (cutoff[:, None] ** 2))
    return freq_weights.astype(jnp.float32)


def setup_inputs(seed: int = 0) -> dict:
    key = jax.random.key(seed)
    k1, k2, k3, k4, k5 = jax.random.split(key, 5)
    diffusion_step = jax.random.randint(k1, (BATCH,), 0, NUM_STEPS)
    embedding = _build_embedding()
    # Linear layers: torch nn.Linear weight shape (out, in), bias (out,)
    lim1 = 1.0 / np.sqrt(EMBED_DIM)
    W1 = jax.random.uniform(k2, (PROJ_DIM, EMBED_DIM), minval=-lim1, maxval=lim1, dtype=jnp.float32)
    b1 = jax.random.uniform(k3, (PROJ_DIM,), minval=-lim1, maxval=lim1, dtype=jnp.float32)
    lim2 = 1.0 / np.sqrt(PROJ_DIM)
    W2 = jax.random.uniform(k4, (PROJ_DIM, PROJ_DIM), minval=-lim2, maxval=lim2, dtype=jnp.float32)
    b2 = jax.random.uniform(k5, (PROJ_DIM,), minval=-lim2, maxval=lim2, dtype=jnp.float32)
    return {"diffusion_step": diffusion_step, "embedding": embedding, "W1": W1, "b1": b1, "W2": W2, "b2": b2}


def reference(diffusion_step, embedding, W1, b1, W2, b2):
    # Faithful translation of HighPassWindowEmbedding.forward
    x = jnp.take(embedding, diffusion_step, axis=0)  # gather rows: (B, embed_dim)
    x = x @ W1.T + b1
    x = jax.nn.silu(x)
    x = x @ W2.T + b2
    x = jax.nn.silu(x)
    return x

if __name__ == "__main__":
    import jax
    _d = setup_inputs()
    print(jax.jit(kernel)(*tuple(_d.values())))

</pallas_src>

<mosaic_0001>
#map = affine_map<(d0, d1) -> (0, 0)>
module attributes {stable_mosaic.version = 14 : i64} {
  func.func @gather(%arg0: i32, %arg1: i32, %arg2: memref<1000x128xf32, #tpu.memory_space<hbm>>, %arg3: memref<128x128xi32, #tpu.memory_space<hbm>>, %arg4: memref<16384x128xf32, #tpu.memory_space<hbm>>, %arg5: memref<4x128xi32, #tpu.memory_space<vmem>>, %arg6: memref<128x128xf32, #tpu.memory_space<vmem>>, %arg7: memref<128x128xf32, #tpu.memory_space<vmem>>, %arg8: memref<128x128xf32, #tpu.memory_space<vmem>>, %arg9: memref<128x128xf32, #tpu.memory_space<vmem>>, %arg10: memref<!tpu.dma_semaphore, #tpu.memory_space<semaphore_mem>>, %arg11: memref<!tpu.dma_semaphore, #tpu.memory_space<semaphore_mem>>, %arg12: memref<!tpu.dma_semaphore, #tpu.memory_space<semaphore_mem>>, %arg13: memref<!tpu.dma_semaphore, #tpu.memory_space<semaphore_mem>>, %arg14: memref<1000x128xf32, #tpu.memory_space<vmem_shared>>, %arg15: memref<!tpu.dma_semaphore, #tpu.memory_space<semaphore_mem>>, %arg16: memref<!tpu.dma_semaphore, #tpu.memory_space<semaphore_mem>>) attributes {dimension_semantics = [#tpu.dimension_semantics<core_parallel>, #tpu.dimension_semantics<subcore_parallel>], iteration_bounds = array<i64: 2, 16>, scalar_prefetch = 0 : i64, scratch_operands = 12 : i64, tpu.core_type = #tpu.core_type<sc_vector_subcore>, window_params = [{transform_indices = #map}, {transform_indices = #map}, {transform_indices = #map}]} {
    %mul3A = arith.constant 2 : i32
    %mul3A_0 = arith.muli %arg1, %mul3A : i32
    %add3A = arith.addi %mul3A_0, %arg0 : i32
    %mul3A_1 = arith.constant 512 : i32
    %mul3A_2 = arith.muli %add3A, %mul3A_1 : i32
    %mul3A_3 = arith.constant 4 : i32
    %mul3A_4 = arith.muli %add3A, %mul3A_3 : i32
    %dma_start3A = arith.constant 0 : i32
    %dma_start3A_5 = tpu.memref_slice %arg3[%mul3A_4, %dma_start3A] : memref<128x128xi32, #tpu.memory_space<hbm>> -> memref<4x128xi32, #tpu.memory_space<hbm>>
    %dma_start3A_6 = arith.constant 0 : i32
    %dma_start3A_7 = tpu.memref_slice %arg3[%mul3A_4, %dma_start3A_6] : memref<128x128xi32, #tpu.memory_space<hbm>> -> memref<4x128xi32, #tpu.memory_space<hbm>>
    tpu.enqueue_dma source(%dma_start3A_7 : memref<4x128xi32, #tpu.memory_space<hbm>>) target(%arg5 : memref<4x128xi32, #tpu.memory_space<vmem>>) target_semaphore(%arg16 : memref<!tpu.dma_semaphore, #tpu.memory_space<semaphore_mem>>)
    %eq3A = arith.constant 0 : i32
    %eq3A_8 = arith.cmpi eq, %arg1, %eq3A : i32
    %convert_element_type3A = arith.extui %eq3A_8 : i1 to i32
    %cond3A = arith.constant 0 : i32
    %cond3A_9 = arith.cmpi ne, %convert_element_type3A, %cond3A : i32
    scf.if %cond3A_9 {
      "tpu.region"() ({
        %run_scoped3A = tpu.sem_alloc : memref<!tpu.dma_semaphore, #tpu.memory_space<semaphore_mem>>
        tpu.enqueue_dma source(%arg2 : memref<1000x128xf32, #tpu.memory_space<hbm>>) target(%arg14 : memref<1000x128xf32, #tpu.memory_space<vmem_shared>>) target_semaphore(%run_scoped3A : memref<!tpu.dma_semaphore, #tpu.memory_space<semaphore_mem>>)
        tpu.wait_dma2 semaphore(%run_scoped3A : memref<!tpu.dma_semaphore, #tpu.memory_space<semaphore_mem>>) src(%arg2 : memref<1000x128xf32, #tpu.memory_space<hbm>>) dst(%arg14 : memref<1000x128xf32, #tpu.memory_space<vmem_shared>>)
        tpu.yield
      }) : () -> ()
    } else {
    }
    %dma_wait3A = arith.constant 0 : i32
    %dma_wait3A_10 = tpu.memref_slice %arg3[%mul3A_4, %dma_wait3A] : memref<128x128xi32, #tpu.memory_space<hbm>> -> memref<4x128xi32, #tpu.memory_space<hbm>>
    %dma_wait3A_11 = arith.constant 0 : i32
    %dma_wait3A_12 = tpu.memref_slice %arg3[%mul3A_4, %dma_wait3A_11] : memref<128x128xi32, #tpu.memory_space<hbm>> -> memref<4x128xi32, #tpu.memory_space<hbm>>
    tpu.wait_dma2 semaphore(%arg16 : memref<!tpu.dma_semaphore, #tpu.memory_space<semaphore_mem>>) src(%dma_wait3A_12 : memref<4x128xi32, #tpu.memory_space<hbm>>) dst(%arg5 : memref<4x128xi32, #tpu.memory_space<vmem>>)
    %barrier3A = arith.constant 0 : index
    tpu.barrier barrier_id(%barrier3A)
    %dma_start3A_13 = arith.constant 0 : i32
    %dma_start3A_14 = arith.constant 0 : i32
    %dma_start3A_15 = tpu.memref_slice %arg5[%dma_start3A_13, %dma_start3A_14] : memref<4x128xi32, #tpu.memory_space<vmem>> -> memref<1x128xi32, #tpu.memory_space<vmem>>
    %dma_start3A_16 = tpu.memref_squeeze %dma_start3A_15 : memref<1x128xi32, #tpu.memory_space<vmem>> -> memref<128xi32, #tpu.memory_space<vmem>>
    %dma_start3A_17 = arith.constant 0 : i32
    %dma_start3A_18 = arith.constant 0 : i32
    %dma_start3A_19 = tpu.memref_slice %arg14[%dma_start3A_17, %dma_start3A_18] : memref<1000x128xf32, #tpu.memory_space<vmem_shared>> -> memref<1000x128xf32, #tpu.memory_space<vmem_shared>>
    tpu.enqueue_indirect_dma source(%dma_start3A_19 : memref<1000x128xf32, #tpu.memory_space<vmem_shared>>) target(%arg6 : memref<128x128xf32, #tpu.memory_space<vmem>>) offsets(%dma_start3A_16 : memref<128xi32, #tpu.memory_space<vmem>>) semaphore(%arg10 : memref<!tpu.dma_semaphore, #tpu.memory_space<semaphore_mem>>)
    %dma_start3A_20 = arith.constant 1 : i32
    %dma_start3A_21 = arith.constant 0 : i32
    %dma_start3A_22 = tpu.memref_slice %arg5[%dma_start3A_20, %dma_start3A_21] : memref<4x128xi32, #tpu.memory_space<vmem>> -> memref<1x128xi32, #tpu.memory_space<vmem>>
    %dma_start3A_23 = tpu.memref_squeeze %dma_start3A_22 : memref<1x128xi32, #tpu.memory_space<vmem>> -> memref<128xi32, #tpu.memory_space<vmem>>
    %dma_start3A_24 = arith.constant 0 : i32
    %dma_start3A_25 = arith.constant 0 : i32
    %dma_start3A_26 = tpu.memref_slice %arg14[%dma_start3A_24, %dma_start3A_25] : memref<1000x128xf32, #tpu.memory_space<vmem_shared>> -> memref<1000x128xf32, #tpu.memory_space<vmem_shared>>
    tpu.enqueue_indirect_dma source(%dma_start3A_26 : memref<1000x128xf32, #tpu.memory_space<vmem_shared>>) target(%arg7 : memref<128x128xf32, #tpu.memory_space<vmem>>) offsets(%dma_start3A_23 : memref<128xi32, #tpu.memory_space<vmem>>) semaphore(%arg11 : memref<!tpu.dma_semaphore, #tpu.memory_space<semaphore_mem>>)
    %dma_start3A_27 = arith.constant 2 : i32
    %dma_start3A_28 = arith.constant 0 : i32
    %dma_start3A_29 = tpu.memref_slice %arg5[%dma_start3A_27, %dma_start3A_28] : memref<4x128xi32, #tpu.memory_space<vmem>> -> memref<1x128xi32, #tpu.memory_space<vmem>>
    %dma_start3A_30 = tpu.memref_squeeze %dma_start3A_29 : memref<1x128xi32, #tpu.memory_space<vmem>> -> memref<128xi32, #tpu.memory_space<vmem>>
    %dma_start3A_31 = arith.constant 0 : i32
    %dma_start3A_32 = arith.constant 0 : i32
    %dma_start3A_33 = tpu.memref_slice %arg14[%dma_start3A_31, %dma_start3A_32] : memref<1000x128xf32, #tpu.memory_space<vmem_shared>> -> memref<1000x128xf32, #tpu.memory_space<vmem_shared>>
    tpu.enqueue_indirect_dma source(%dma_start3A_33 : memref<1000x128xf32, #tpu.memory_space<vmem_shared>>) target(%arg8 : memref<128x128xf32, #tpu.memory_space<vmem>>) offsets(%dma_start3A_30 : memref<128xi32, #tpu.memory_space<vmem>>) semaphore(%arg12 : memref<!tpu.dma_semaphore, #tpu.memory_space<semaphore_mem>>)
    %dma_start3A_34 = arith.constant 3 : i32
    %dma_start3A_35 = arith.constant 0 : i32
    %dma_start3A_36 = tpu.memref_slice %arg5[%dma_start3A_34, %dma_start3A_35] : memref<4x128xi32, #tpu.memory_space<vmem>> -> memref<1x128xi32, #tpu.memory_space<vmem>>
    %dma_start3A_37 = tpu.memref_squeeze %dma_start3A_36 : memref<1x128xi32, #tpu.memory_space<vmem>> -> memref<128xi32, #tpu.memory_space<vmem>>
    %dma_start3A_38 = arith.constant 0 : i32
    %dma_start3A_39 = arith.constant 0 : i32
    %dma_start3A_40 = tpu.memref_slice %arg14[%dma_start3A_38, %dma_start3A_39] : memref<1000x128xf32, #tpu.memory_space<vmem_shared>> -> memref<1000x128xf32, #tpu.memory_space<vmem_shared>>
    tpu.enqueue_indirect_dma source(%dma_start3A_40 : memref<1000x128xf32, #tpu.memory_space<vmem_shared>>) target(%arg9 : memref<128x128xf32, #tpu.memory_space<vmem>>) offsets(%dma_start3A_37 : memref<128xi32, #tpu.memory_space<vmem>>) semaphore(%arg13 : memref<!tpu.dma_semaphore, #tpu.memory_space<semaphore_mem>>)
    %dma_wait3A_41 = arith.constant 0 : i32
    %dma_wait3A_42 = arith.constant 0 : i32
    %dma_wait3A_43 = tpu.memref_slice %arg5[%dma_wait3A_41, %dma_wait3A_42] : memref<4x128xi32, #tpu.memory_space<vmem>> -> memref<1x128xi32, #tpu.memory_space<vmem>>
    %dma_wait3A_44 = tpu.memref_squeeze %dma_wait3A_43 : memref<1x128xi32, #tpu.memory_space<vmem>> -> memref<128xi32, #tpu.memory_space<vmem>>
    %dma_wait3A_45 = arith.constant 0 : i32
    %dma_wait3A_46 = arith.constant 0 : i32
    %dma_wait3A_47 = tpu.memref_slice %arg14[%dma_wait3A_45, %dma_wait3A_46] : memref<1000x128xf32, #tpu.memory_space<vmem_shared>> -> memref<1000x128xf32, #tpu.memory_space<vmem_shared>>
    tpu.wait_indirect_dma semaphore(%arg10 : memref<!tpu.dma_semaphore, #tpu.memory_space<semaphore_mem>>) src(%dma_wait3A_47 : memref<1000x128xf32, #tpu.memory_space<vmem_shared>>) dst(%arg6 : memref<128x128xf32, #tpu.memory_space<vmem>>)
    %add3A_48 = arith.constant 0 : i32
    %add3A_49 = arith.addi %mul3A_2, %add3A_48 : i32
    %dma_start3A_50 = arith.constant 0 : i32
    %dma_start3A_51 = tpu.memref_slice %arg4[%add3A_49, %dma_start3A_50] : memref<16384x128xf32, #tpu.memory_space<hbm>> -> memref<128x128xf32, #tpu.memory_space<hbm>>
    %dma_start3A_52 = arith.constant 0 : i32
    %dma_start3A_53 = tpu.memref_slice %arg4[%add3A_49, %dma_start3A_52] : memref<16384x128xf32, #tpu.memory_space<hbm>> -> memref<128x128xf32, #tpu.memory_space<hbm>>
    tpu.enqueue_dma source(%arg6 : memref<128x128xf32, #tpu.memory_space<vmem>>) target(%dma_start3A_53 : memref<128x128xf32, #tpu.memory_space<hbm>>) target_semaphore(%arg15 : memref<!tpu.dma_semaphore, #tpu.memory_space<semaphore_mem>>)
    %dma_wait3A_54 = arith.constant 1 : i32
    %dma_wait3A_55 = arith.constant 0 : i32
    %dma_wait3A_56 = tpu.memref_slice %arg5[%dma_wait3A_54, %dma_wait3A_55] : memref<4x128xi32, #tpu.memory_space<vmem>> -> memref<1x128xi32, #tpu.memory_space<vmem>>
    %dma_wait3A_57 = tpu.memref_squeeze %dma_wait3A_56 : memref<1x128xi32, #tpu.memory_space<vmem>> -> memref<128xi32, #tpu.memory_space<vmem>>
    %dma_wait3A_58 = arith.constant 0 : i32
    %dma_wait3A_59 = arith.constant 0 : i32
    %dma_wait3A_60 = tpu.memref_slice %arg14[%dma_wait3A_58, %dma_wait3A_59] : memref<1000x128xf32, #tpu.memory_space<vmem_shared>> -> memref<1000x128xf32, #tpu.memory_space<vmem_shared>>
    tpu.wait_indirect_dma semaphore(%arg11 : memref<!tpu.dma_semaphore, #tpu.memory_space<semaphore_mem>>) src(%dma_wait3A_60 : memref<1000x128xf32, #tpu.memory_space<vmem_shared>>) dst(%arg7 : memref<128x128xf32, #tpu.memory_space<vmem>>)
    %add3A_61 = arith.constant 128 : i32
    %add3A_62 = arith.addi %mul3A_2, %add3A_61 : i32
    %dma_start3A_63 = arith.constant 0 : i32
    %dma_start3A_64 = tpu.memref_slice %arg4[%add3A_62, %dma_start3A_63] : memref<16384x128xf32, #tpu.memory_space<hbm>> -> memref<128x128xf32, #tpu.memory_space<hbm>>
    %dma_start3A_65 = arith.constant 0 : i32
    %dma_start3A_66 = tpu.memref_slice %arg4[%add3A_62, %dma_start3A_65] : memref<16384x128xf32, #tpu.memory_space<hbm>> -> memref<128x128xf32, #tpu.memory_space<hbm>>
    tpu.enqueue_dma source(%arg7 : memref<128x128xf32, #tpu.memory_space<vmem>>) target(%dma_start3A_66 : memref<128x128xf32, #tpu.memory_space<hbm>>) target_semaphore(%arg15 : memref<!tpu.dma_semaphore, #tpu.memory_space<semaphore_mem>>)
    %dma_wait3A_67 = arith.constant 2 : i32
    %dma_wait3A_68 = arith.constant 0 : i32
    %dma_wait3A_69 = tpu.memref_slice %arg5[%dma_wait3A_67, %dma_wait3A_68] : memref<4x128xi32, #tpu.memory_space<vmem>> -> memref<1x128xi32, #tpu.memory_space<vmem>>
    %dma_wait3A_70 = tpu.memref_squeeze %dma_wait3A_69 : memref<1x128xi32, #tpu.memory_space<vmem>> -> memref<128xi32, #tpu.memory_space<vmem>>
    %dma_wait3A_71 = arith.constant 0 : i32
    %dma_wait3A_72 = arith.constant 0 : i32
    %dma_wait3A_73 = tpu.memref_slice %arg14[%dma_wait3A_71, %dma_wait3A_72] : memref<1000x128xf32, #tpu.memory_space<vmem_shared>> -> memref<1000x128xf32, #tpu.memory_space<vmem_shared>>
    tpu.wait_indirect_dma semaphore(%arg12 : memref<!tpu.dma_semaphore, #tpu.memory_space<semaphore_mem>>) src(%dma_wait3A_73 : memref<1000x128xf32, #tpu.memory_space<vmem_shared>>) dst(%arg8 : memref<128x128xf32, #tpu.memory_space<vmem>>)
    %add3A_74 = arith.constant 256 : i32
    %add3A_75 = arith.addi %mul3A_2, %add3A_74 : i32
    %dma_start3A_76 = arith.constant 0 : i32
    %dma_start3A_77 = tpu.memref_slice %arg4[%add3A_75, %dma_start3A_76] : memref<16384x128xf32, #tpu.memory_space<hbm>> -> memref<128x128xf32, #tpu.memory_space<hbm>>
    %dma_start3A_78 = arith.constant 0 : i32
    %dma_start3A_79 = tpu.memref_slice %arg4[%add3A_75, %dma_start3A_78] : memref<16384x128xf32, #tpu.memory_space<hbm>> -> memref<128x128xf32, #tpu.memory_space<hbm>>
    tpu.enqueue_dma source(%arg8 : memref<128x128xf32, #tpu.memory_space<vmem>>) target(%dma_start3A_79 : memref<128x128xf32, #tpu.memory_space<hbm>>) target_semaphore(%arg15 : memref<!tpu.dma_semaphore, #tpu.memory_space<semaphore_mem>>)
    %dma_wait3A_80 = arith.constant 3 : i32
    %dma_wait3A_81 = arith.constant 0 : i32
    %dma_wait3A_82 = tpu.memref_slice %arg5[%dma_wait3A_80, %dma_wait3A_81] : memref<4x128xi32, #tpu.memory_space<vmem>> -> memref<1x128xi32, #tpu.memory_space<vmem>>
    %dma_wait3A_83 = tpu.memref_squeeze %dma_wait3A_82 : memref<1x128xi32, #tpu.memory_space<vmem>> -> memref<128xi32, #tpu.memory_space<vmem>>
    %dma_wait3A_84 = arith.constant 0 : i32
    %dma_wait3A_85 = arith.constant 0 : i32
    %dma_wait3A_86 = tpu.memref_slice %arg14[%dma_wait3A_84, %dma_wait3A_85] : memref<1000x128xf32, #tpu.memory_space<vmem_shared>> -> memref<1000x128xf32, #tpu.memory_space<vmem_shared>>
    tpu.wait_indirect_dma semaphore(%arg13 : memref<!tpu.dma_semaphore, #tpu.memory_space<semaphore_mem>>) src(%dma_wait3A_86 : memref<1000x128xf32, #tpu.memory_space<vmem_shared>>) dst(%arg9 : memref<128x128xf32, #tpu.memory_space<vmem>>)
    %add3A_87 = arith.constant 384 : i32
    %add3A_88 = arith.addi %mul3A_2, %add3A_87 : i32
    %dma_start3A_89 = arith.constant 0 : i32
    %dma_start3A_90 = tpu.memref_slice %arg4[%add3A_88, %dma_start3A_89] : memref<16384x128xf32, #tpu.memory_space<hbm>> -> memref<128x128xf32, #tpu.memory_space<hbm>>
    %dma_start3A_91 = arith.constant 0 : i32
    %dma_start3A_92 = tpu.memref_slice %arg4[%add3A_88, %dma_start3A_91] : memref<16384x128xf32, #tpu.memory_space<hbm>> -> memref<128x128xf32, #tpu.memory_space<hbm>>
    tpu.enqueue_dma source(%arg9 : memref<128x128xf32, #tpu.memory_space<vmem>>) target(%dma_start3A_92 : memref<128x128xf32, #tpu.memory_space<hbm>>) target_semaphore(%arg15 : memref<!tpu.dma_semaphore, #tpu.memory_space<semaphore_mem>>)
    %dma_wait3A_93 = arith.constant 0 : i32
    %dma_wait3A_94 = tpu.memref_slice %arg4[%add3A_49, %dma_wait3A_93] : memref<16384x128xf32, #tpu.memory_space<hbm>> -> memref<128x128xf32, #tpu.memory_space<hbm>>
    %dma_wait3A_95 = arith.constant 0 : i32
    %dma_wait3A_96 = tpu.memref_slice %arg4[%add3A_49, %dma_wait3A_95] : memref<16384x128xf32, #tpu.memory_space<hbm>> -> memref<128x128xf32, #tpu.memory_space<hbm>>
    tpu.wait_dma2 semaphore(%arg15 : memref<!tpu.dma_semaphore, #tpu.memory_space<semaphore_mem>>) src(%arg6 : memref<128x128xf32, #tpu.memory_space<vmem>>) dst(%dma_wait3A_96 : memref<128x128xf32, #tpu.memory_space<hbm>>)
    %dma_wait3A_97 = arith.constant 0 : i32
    %dma_wait3A_98 = tpu.memref_slice %arg4[%add3A_62, %dma_wait3A_97] : memref<16384x128xf32, #tpu.memory_space<hbm>> -> memref<128x128xf32, #tpu.memory_space<hbm>>
    %dma_wait3A_99 = arith.constant 0 : i32
    %dma_wait3A_100 = tpu.memref_slice %arg4[%add3A_62, %dma_wait3A_99] : memref<16384x128xf32, #tpu.memory_space<hbm>> -> memref<128x128xf32, #tpu.memory_space<hbm>>
    tpu.wait_dma2 semaphore(%arg15 : memref<!tpu.dma_semaphore, #tpu.memory_space<semaphore_mem>>) src(%arg7 : memref<128x128xf32, #tpu.memory_space<vmem>>) dst(%dma_wait3A_100 : memref<128x128xf32, #tpu.memory_space<hbm>>)
    %dma_wait3A_101 = arith.constant 0 : i32
    %dma_wait3A_102 = tpu.memref_slice %arg4[%add3A_75, %dma_wait3A_101] : memref<16384x128xf32, #tpu.memory_space<hbm>> -> memref<128x128xf32, #tpu.memory_space<hbm>>
    %dma_wait3A_103 = arith.constant 0 : i32
    %dma_wait3A_104 = tpu.memref_slice %arg4[%add3A_75, %dma_wait3A_103] : memref<16384x128xf32, #tpu.memory_space<hbm>> -> memref<128x128xf32, #tpu.memory_space<hbm>>
    tpu.wait_dma2 semaphore(%arg15 : memref<!tpu.dma_semaphore, #tpu.memory_space<semaphore_mem>>) src(%arg8 : memref<128x128xf32, #tpu.memory_space<vmem>>) dst(%dma_wait3A_104 : memref<128x128xf32, #tpu.memory_space<hbm>>)
    %dma_wait3A_105 = arith.constant 0 : i32
    %dma_wait3A_106 = tpu.memref_slice %arg4[%add3A_88, %dma_wait3A_105] : memref<16384x128xf32, #tpu.memory_space<hbm>> -> memref<128x128xf32, #tpu.memory_space<hbm>>
    %dma_wait3A_107 = arith.constant 0 : i32
    %dma_wait3A_108 = tpu.memref_slice %arg4[%add3A_88, %dma_wait3A_107] : memref<16384x128xf32, #tpu.memory_space<hbm>> -> memref<128x128xf32, #tpu.memory_space<hbm>>
    tpu.wait_dma2 semaphore(%arg15 : memref<!tpu.dma_semaphore, #tpu.memory_space<semaphore_mem>>) src(%arg9 : memref<128x128xf32, #tpu.memory_space<vmem>>) dst(%dma_wait3A_108 : memref<128x128xf32, #tpu.memory_space<hbm>>)
    return
  }
}

module attributes {stable_mosaic.version = 14 : i64} {
  func.func @_mlp_table_kernel(%arg0: memref<1000x128xf32, #tpu.memory_space<vmem>>, %arg1: memref<128x128xf32, #tpu.memory_space<vmem>>, %arg2: memref<1x128xf32, #tpu.memory_space<vmem>>, %arg3: memref<128x128xf32, #tpu.memory_space<vmem>>, %arg4: memref<1x128xf32, #tpu.memory_space<vmem>>, %arg5: memref<1000x128xf32, #tpu.memory_space<vmem>>) attributes {dimension_semantics = [], scalar_prefetch = 0 : i64, scratch_operands = 0 : i64, tpu.core_type = #tpu.core_type<tc>} {
    %get3A = arith.constant 0 : index
    %get3A_0 = arith.constant 0 : index
    %get3A_1 = vector.load %arg0[%get3A, %get3A_0] : memref<1000x128xf32, #tpu.memory_space<vmem>>, vector<1000x128xf32>
    %get3A_2 = arith.constant 0 : index
    %get3A_3 = arith.constant 0 : index
    %get3A_4 = vector.load %arg1[%get3A_2, %get3A_3] : memref<128x128xf32, #tpu.memory_space<vmem>>, vector<128x128xf32>
    %dot_general3A = arith.constant dense<0.000000e+00> : vector<1000x128xf32>
    %dot_general3A_5 = tpu.matmul %get3A_1, %get3A_4, %dot_general3A {dimension_numbers = #tpu.dot_dimension_numbers<[1], [1], [0], [0], [0, 0, 1, 0], [], []>, transpose_lhs_hint = false} : vector<1000x128xf32>, vector<128x128xf32>, vector<1000x128xf32> -> vector<1000x128xf32>
    %get3A_6 = arith.constant 0 : index
    %get3A_7 = arith.constant 0 : index
    %get3A_8 = vector.load %arg2[%get3A_6, %get3A_7] : memref<1x128xf32, #tpu.memory_space<vmem>>, vector<1x128xf32>
    %add3A = vector.broadcast %get3A_8 : vector<1x128xf32> to vector<1000x128xf32>
    %add3A_9 = arith.addf %dot_general3A_5, %add3A : vector<1000x128xf32>
    %logistic3A = arith.negf %add3A_9 : vector<1000x128xf32>
    %logistic3A_10 = math.exp %logistic3A : vector<1000x128xf32>
    %logistic3A_11 = arith.constant 1.000000e+00 : f32
    %logistic3A_12 = vector.broadcast %logistic3A_11 : f32 to vector<1000x128xf32>
    %logistic3A_13 = arith.addf %logistic3A_12, %logistic3A_10 : vector<1000x128xf32>
    %logistic3A_14 = arith.divf %logistic3A_12, %logistic3A_13 : vector<1000x128xf32>
    %mul3A = arith.mulf %add3A_9, %logistic3A_14 : vector<1000x128xf32>
    %get3A_15 = arith.constant 0 : index
    %get3A_16 = arith.constant 0 : index
    %get3A_17 = vector.load %arg3[%get3A_15, %get3A_16] : memref<128x128xf32, #tpu.memory_space<vmem>>, vector<128x128xf32>
    %dot_general3A_18 = arith.constant dense<0.000000e+00> : vector<1000x128xf32>
    %dot_general3A_19 = tpu.matmul %mul3A, %get3A_17, %dot_general3A_18 {dimension_numbers = #tpu.dot_dimension_numbers<[1], [1], [0], [0], [0, 0, 1, 0], [], []>, transpose_lhs_hint = false} : vector<1000x128xf32>, vector<128x128xf32>, vector<1000x128xf32> -> vector<1000x128xf32>
    %get3A_20 = arith.constant 0 : index
    %get3A_21 = arith.constant 0 : index
    %get3A_22 = vector.load %arg4[%get3A_20, %get3A_21] : memref<1x128xf32, #tpu.memory_space<vmem>>, vector<1x128xf32>
    %add3A_23 = vector.broadcast %get3A_22 : vector<1x128xf32> to vector<1000x128xf32>
    %add3A_24 = arith.addf %dot_general3A_19, %add3A_23 : vector<1000x128xf32>
    %logistic3A_25 = arith.negf %add3A_24 : vector<1000x128xf32>
    %logistic3A_26 = math.exp %logistic3A_25 : vector<1000x128xf32>
    %logistic3A_27 = arith.constant 1.000000e+00 : f32
    %logistic3A_28 = vector.broadcast %logistic3A_27 : f32 to vector<1000x128xf32>
    %logistic3A_29 = arith.addf %logistic3A_28, %logistic3A_26 : vector<1000x128xf32>
    %logistic3A_30 = arith.divf %logistic3A_28, %logistic3A_29 : vector<1000x128xf32>
    %mul3A_31 = arith.mulf %add3A_24, %logistic3A_30 : vector<1000x128xf32>
    %swap3A = arith.constant 0 : index
    %swap3A_32 = arith.constant 0 : index
    %swap3A_33 = vector.load %arg5[%swap3A, %swap3A_32] : memref<1000x128xf32, #tpu.memory_space<vmem>>, vector<1000x128xf32>
    tpu.vector_store %arg5[%swap3A, %swap3A_32], %mul3A_31 {strides = array<i32>} : memref<1000x128xf32, #tpu.memory_space<vmem>>, vector<1000x128xf32>,
    return
  }
}

</mosaic_0001>

<sc_bundles>
// kernel: kernel.4.cloned.1.call-start
scs
__scs_entry_jumppad:
0x0: {  	(pc) =	sbr.rel $0x88, $3  }
0x1: {  	(tag) =	ssettag $0x0;
	lr =	simm.s32 $0x1  }
0x2: {  	[smem:$0x3F9B] =	sst lr;
	_ =	strace $0xD0000000  }
0x3: {  	_ = 	snop  }
0x4: {  	_ = 	snop  }
0x5: {  	_ = 	snop  }
0x6: {  	_ = 	snop  }
0x7: {  	_ = 	snop  }
__scs_overlays_trampoline_lowered:
0x8: {  	[smem:$0x3FAA] =	sst s0  }
0x9: {  	[smem:$0x3FAB] =	sst s1  }
0xa: {  	[smem:$0x3FAC] =	sst s2  }
0xb: {  	[smem:$0x3FAD] =	sst s3  }
0xc: {  	[smem:$0x3FAE] =	sst s4  }
0xd: {  	[smem:$0x3FAF] =	sst s5  }
0xe: {  	[smem:$0x3FB0] =	sst s6  }
0xf: {  	[smem:$0x3FB1] =	sst s7  }
0x10: {  	[smem:$0x3FB2] =	sst s8  }
0x11: {  	[smem:$0x3FB3] =	sst s9;
	s0 =	simm.s32 @!p0 $0x0  }
0x12: {  	s1 =	sld [smem:$0x3F99];
	s0 =	simm.s32 @p0 $0x1  }
0x13: {  	[smem:$0x3FB4] =	sst s0;
	s0 =	simm.s32 @!p1 $0x0  }
0x14: {  	s2 =	sld [smem:$0x3F98];
	s0 =	simm.s32 @p1 $0x1  }
0x15: {  	[smem:$0x3FB5] =	sst s0;
	s0 =	simm.s32 @!p2 $0x0  }
0x16: {  	s3 =	sld [smem:$0x3FDB];
	s0 =	simm.s32 @p2 $0x1  }
0x17: {  	s4 =	simm.s32 $0x1BF5;
	[smem:$0x3FB7] =	sst s0  }
0x18: {  	s0 =	sld [smem:$0x3F9A];
	_ =	swait.ge [sflag:s4], $0x0  }
0x19: {  	s7 =	sld [smem:$0x3F9B]  }
0x1a: {  	s8 =	sadd.s32 $0xFFFFE003, lr  }
0x1b: {  	s9 =	sadd.s32 $0xFFFFFEF7, lr;
	s5 =	simm.s32 $0xFFFFFFFF;
	p2 =	slt.u32 s8, $0xFFFFF086  }
0x1c: {  	p1 =	slt.u32 s9, $0xF7A;
	s5 =	simm.s32 @!p2 $0x0  }
0x1d: {  	s5 =	simm.s32 @p1 $0x1;
	p0 =	seq.s32 s7, s2  }
0x1e: {  	s7 =	smul.u32 @!p0 $0xF7A, s2;
	p2 =	seq.s32 @!p0 s5, $0x0  }
0x1f: {  	s9 =	smul.u32 $0xF7A, s1;
	s8 =	simm.s32 @!p0 $0x1BF5;
	p2 =	por !p2, p0  }
0x20: {  	[sflag:s8] =	ssyncset.s32 @!p0 $0xFFFFF086;
	s6 =	sadd.s32 @!p0 s3, s7;
	s7 =	simm.s32 @!p0 $0x108  }
0x21: {  	s3 =	sadd.s32 s3, s9;
	s6 =	sadd.s32 @!p0 $0x88, s6;
	s7 =	simm.s32 @p2 $0x1082  }
0x22: {  	[simem:s7], [sflag:s8] =	dma.local @!p0 [hbm:s6], $0xF7A  }
0x23: {  	s9 =	sor.u32 $0xD0000000, s2;
	s6 =	simm.s32 $0x108;
	_ =	swait.ge @!p0 [sflag:s8], $0x0  }
0x24: {  	s3 =	sadd.s32 $0x88, s3;
	s6 =	simm.s32 @!p1 $0x1082;
	[sflag:s4] =	ssyncset.s32 $0xFFFFF086  }
0x25: {  	[simem:s6], [sflag:s4] =	dma.local [hbm:s3], $0xF7A  }
0x26: {  	[smem:$0x3F9B] =	sst s1;
	(tag) =	ssettag s2;
	_ =	strace s9  }
0x27: {  	s1 =	sld [smem:$0x3FAB]  }
0x28: {  	s2 =	sld [smem:$0x3FAC]  }
0x29: {  	s4 =	sld [smem:$0x3FAE]  }
0x2a: {  	p0 =	seq.s32 s5, $0x0;
	s5 =	sld [smem:$0x3FAF]  }
0x2b: {  	s6 =	sld [smem:$0x3FB0]  }
0x2c: {  	s7 =	sld [smem:$0x3FB1]  }
0x2d: {  	s3 =	simm.s32 $0x108;
	s8 =	sld [smem:$0x3FB2]  }
0x2e: {  	s3 =	simm.s32 @!p0 $0x1082;
	s9 =	sld [smem:$0x3FB3]  }
0x2f: {  	lr =	sadd.s32 s0, s3;
	s0 =	sld [smem:$0x3FAA]  }
0x30: {  	s3 =	sld [smem:$0x3FAD]  }
0x31: {  	[smem:$0x3FB6] =	sst s10  }
0x32: {  	s10 =	sld [smem:$0x3FB4];
	_ =	sdelay $0x3  }
0x33: {  	p0 =	seq.s32 s10, $0x1;
	s10 =	sld [smem:$0x3FB6];
	_ =	sdelay $0x3  }
0x34: {  	[smem:$0x3FB6] =	sst s10  }
0x35: {  	s10 =	sld [smem:$0x3FB5];
	_ =	sdelay $0x3  }
0x36: {  	p1 =	seq.s32 s10, $0x1;
	s10 =	sld [smem:$0x3FB6];
	_ =	sdelay $0x3  }
0x37: {  	[smem:$0x3FB6] =	sst s10  }
0x38: {  	s10 =	sld [smem:$0x3FB7]  }
0x39: {  	_ = 	snop;
	(pc) =	sbr.ind lr, $3  }
0x3a: {  	_ = 	snop  }
0x3b: {  	_ = 	snop  }
0x3c: {  	p2 =	seq.s32 s10, $0x1;
	s10 =	sld [smem:$0x3FB6]  }
0x3d: {  	_ =	shalt  }
0x3e: {  	_ =	shalt  }
0x3f: {  	_ =	shalt  }
0x40: {  	_ =	shalt  }
0x41: {  	_ =	shalt  }
0x42: {  	_ =	shalt  }
0x43: {  	_ =	shalt  }
0x44: {  	_ =	shalt  }
0x45: {  	_ =	shalt  }
0x46: {  	_ =	shalt  }
0x47: {  	_ =	shalt  }
0x48: {  	_ =	shalt  }
0x49: {  	_ =	shalt  }
0x4a: {  	_ =	shalt  }
0x4b: {  	_ =	shalt  }
0x4c: {  	_ =	shalt  }
0x4d: {  	_ =	shalt  }
0x4e: {  	_ =	shalt  }
0x4f: {  	_ =	shalt  }
0x50: {  	_ =	shalt  }
0x51: {  	_ =	shalt  }
0x52: {  	_ =	shalt  }
0x53: {  	_ =	shalt  }
0x54: {  	_ =	shalt  }
0x55: {  	_ =	shalt  }
0x56: {  	_ =	shalt  }
0x57: {  	_ =	shalt  }
0x58: {  	_ =	shalt  }
0x59: {  	_ =	shalt  }
0x5a: {  	_ =	shalt  }
0x5b: {  	_ =	shalt  }
0x5c: {  	_ =	shalt  }
0x5d: {  	_ =	shalt  }
0x5e: {  	_ =	shalt  }
0x5f: {  	_ =	shalt  }
0x60: {  	_ =	shalt  }
0x61: {  	_ =	shalt  }
0x62: {  	_ =	shalt  }
0x63: {  	_ =	shalt  }
0x64: {  	_ =	shalt  }
0x65: {  	_ =	shalt  }
0x66: {  	_ =	shalt  }
0x67: {  	_ =	shalt  }
0x68: {  	_ =	shalt  }
0x69: {  	_ =	shalt  }
0x6a: {  	_ =	shalt  }
0x6b: {  	_ =	shalt  }
0x6c: {  	_ =	shalt  }
0x6d: {  	_ =	shalt  }
0x6e: {  	_ =	shalt  }
0x6f: {  	_ =	shalt  }
0x70: {  	_ =	shalt  }
0x71: {  	_ =	shalt  }
0x72: {  	_ =	shalt  }
0x73: {  	_ =	shalt  }
0x74: {  	_ =	shalt  }
0x75: {  	_ =	shalt  }
0x76: {  	_ =	shalt  }
0x77: {  	_ =	shalt  }
0x78: {  	_ =	shalt  }
0x79: {  	_ =	shalt  }
0x7a: {  	_ =	shalt  }
0x7b: {  	_ =	shalt  }
0x7c: {  	_ =	shalt  }
0x7d: {  	_ =	shalt  }
0x7e: {  	_ =	shalt  }
0x7f: {  	_ =	shalt  }
0x80: {  	_ =	shalt  }
0x81: {  	_ =	shalt  }
0x82: {  	_ =	shalt  }
0x83: {  	_ =	shalt  }
0x84: {  	_ =	shalt  }
0x85: {  	_ =	shalt  }
0x86: {  	_ =	shalt  }
0x87: {  	_ =	shalt  }
.Lfunc_end0:
.L_simem_size_0:
called_computation_lowered:
.L_overlay_start_0:
0x88: {  	s2 =	sld [smem:$0x3FD9]  }
0x89: {  	s3 =	sld [smem:$0x3FFE];
	_ =	sdelay $0x1  }
0x8a: {  	s1 =	srdreg.scid  }
0x8b: {  	s0 =	sand.u32 $0x1, s1  }
0x8c: {  	s17 =	sshll.u32 s0, $0xA;
	s2 =	sadd.s32 s3, s2  }
0x8d: {  	s2 =	sadd.s32 s2, s17  }
0x8e: {  	[smem:$0x3FC2] =	sst s2  }
0x8f: {  	_ = 	snop  }
0x90: {  	s2 =	sld [smem:$0x3FC9]  }
0x91: {  	s18 =	sld [smem:$0x3FD0];
	(tm) =	ssettm $0x1  }
0x92: {  	s4 =	sld [smem:$0x3FFB];
	_ =	sdelay $0x3  }
0x93: {  	_ =	strace s4  }
0x94: {  	s4 =	sld [smem:$0x3FFC];
	_ =	sdelay $0x3  }
0x95: {  	_ =	strace s4  }
0x96: {  	s4 =	sld [smem:$0x3FFD];
	_ =	sdelay $0x3  }
0x97: {  	_ =	strace s4  }
0x98: {  	_ =	strace $0x8FFFFFFF  }
0x99: {  	s19 =	sld [smem:$0x3FDB];
	_ =	sdelay $0x1  }
0x9a: {  	s5 =	simm.s32 $_scs_section_size  }
0x9b: {  	s6 =	simm.s32 $_size__tile_overlayer_lowered;
	s7 =	simm.s32 $_tile_overlayer_lowered  }
0x9c: {  	s22 =	simm.s32 $0x1BFF;
	s21 =	sshll.u32 s7, $0x1;
	s4 =	sadd.s32 s5, s19  }
0x9d: {  	s8 =	simm.s32 $0x0;
	s20 =	sshll.u32 s6, $0x1;
	s6 =	sadd.s32 s21, s4  }
0x9e: {  	[timem:s8], [sflag:s22] =	dma.local [hbm:s6], s20  }
0x9f: {  	_ =	swait.ge [sflag:s22], s20  }
0xa0: {  	s5 =	ssub.s32 $0x0, s20;
	[sflag:s22] =	ssyncset.done $0x0  }
0xa1: {  	[sflag:s22] =	ssyncadd.s32 s5;
	_ =	sdelay $0x1  }
0xa2: {  	s23 =	simm.s32 $0x1B8B  }
0xa3: {  	_ =	swait.ge [sflag:s23], $0x1  }
0xa4: {  	[sflag:s23] =	ssyncset.done $0x0  }
0xa5: {  	s25 =	simm.s32 $0x1B8E;
	s24 =	sld [smem:$0x3FFE];
	[sflag:s23] =	ssyncadd.s32 $0xFFFFFFFF  }
0xa6: {  	s26 =	simm.s32 $execute0_lowered;
	[smem:$0x3FD2] =	sst s25  }
0xa7: {  	s6 =	sshll.u32 s26, $0x1;
	_ =	strace $0x80000046;
	[dreg:$0x1] =	wrdreg $0xFFFFFFFF  }
0xa8: {  	s28 =	simm.s32 $_size_execute0_lowered;
	s4 =	sadd.s32 s4, s6;
	[dreg:$0x0] =	wrdreg $0x0  }
0xa9: {  	s6 =	sshll.u32 s28, $0x1;
	[dreg:$0x2] =	wrdreg s4  }
0xaa: {  	[dreg:$0x3] =	wrdreg s6  }
0xab: {  	[dreg:$0x4] =	wrdreg $0xC0  }
0xac: {  	_ =	task [dreg:s8], $0x5FFFF  }
0xad: {  	[dreg:$0x1] =	wrdreg $0xFFFFFFFF  }
0xae: {  	[dreg:$0x0] =	wrdreg $0x60  }
0xaf: {  	[dreg:$0x2] =	wrdreg s24  }
0xb0: {  	[dreg:$0x3] =	wrdreg s2  }
0xb1: {  	[dreg:$0x4] =	wrdreg s18  }
0xb2: {  	[dreg:$0x5] =	wrdreg $0x102000  }
0xb3: {  	[dreg:$0x6] =	wrdreg $0x9  }
0xb4: {  	_ =	task.clear_ibuf [dreg:s8], $0x7FFFF;
	_ =	strace $0x90000046  }
0xb5: {  	s29 =	simm.s32 $0x9;
	_ =	strace $0x80000048  }
0xb6: {  	_ =	swait.ge [sflag:s29], $0x1  }
0xb7: {  	[sflag:s29] =	ssyncadd.s32 $0xFFFFFFFF  }
0xb8: {  	_ =	strace $0x90000048  }
0xb9: {  	_ =	sfence  }
0xba: {  	s30 =	sld [smem:$0x0];
	_ =	sdelay $0x2  }
0xbb: {  	s31 =	sshll.u32 s1, $0xD;
	s1 =	sshrl.u32 s1, $0x2  }
0xbc: {  	s3 =	sand.u32 $0x4000, s31;
	s1 =	sadd.s32 s1, s30  }
0xbd: {  	s0 =	sor.u32 s3, s0;
	s1 =	sshll.u32 s1, $0x11  }
0xbe: {  	s0 =	sor.u32 s1, s0  }
0xbf: {  	s0 =	sadd.s32 $0x8F2B, s0  }
0xc0: {  	[sflag:s0] =	ssyncadd.remote.s32 $0x1  }
0xc1: {  	_ =	sfence.sel $0xFFFF  }
0xc2: {  	[dreg:$0x0] =	wrdreg $0xFFFFFFFF;
	(pc) =	sbr.abs _section_cstart, $3  }
0xc3: {  	[dreg:$0x1] =	wrdreg $0xFFFFFFFF  }
0xc4: {  	_ =	task.clear_ibuf [dreg:s8], $0x2FFFF;
	_ =	strace $0x9FFFFFFF  }
0xc5: {  	(tm) =	ssettm $0x7FFFFFFF  }
tec
execute0_lowered:
.L_overlay_start_1:
0x0: {  	(tag) =	ssettag $0x1  }
0x1: {  	s3 =	rddreg [dreg:$0x0]  }
0x2: {  	s4 =	rddreg [dreg:$0x1]  }
0x3: {  	s17 =	rddreg [dreg:$0x2]  }
0x4: {  	s1 =	rddreg [dreg:$0x3];
	s5 =	srdreg.scid  }
0x5: {  	s0 =	rddreg [dreg:$0x4];
	s2 =	simm.s32 $0x0;
	s18 =	stileid.u32  }
0x6: {  	s25 =	sand.u32 $0x1, s5;
	[smem:$0x7FF] =	sst s2;
	s6 =	sshll.u32 s18, $0x7  }
0x7: {  	s3 =	sadd.s32 $0x1000, s3;
	p0 =	sne.s32 s18, $0x0;
	s5 =	sshll.u32 s25, $0x6  }
0x8: {  	_ =	strace $0x80000047;
	s7 =	simm.s32 @!p0 $0x7;
	s4 =	sadd.s32 s4, s5  }
0x9: {  	s5 =	sshrl.u32 @!p0 s1, $0x3;
	s4 =	sadd.s32 s6, s4;
	s6 =	simm.s32 @!p0 $0x1C07  }
0xa: {  	[tilespmem:s2], [sflag:$0x6] =	stream.linear.gather [hbm4b:s4+s2], $0x200, $0x38;
	[tilespmem:$0x12140] =	vst v63  }
0xb: {  	[spmem:s5], [sflag:s6] =	dma.local @!p0 [hbm:s3], $0x3E80  }
0xc: {  	_ =	swait.ge @!p0 [sflag:s7], $0x3E80  }
0xd: {  	[sflag:s7] =	ssyncset.done @!p0 $0x0  }
0xe: {  	s8 =	simm.s32 $0x6;
	[sflag:s7] =	ssyncadd.s32 @!p0 $0xFFFFC180  }
0xf: {  	_ =	swait.ge [sflag:s8], $0x200  }
0x10: {  	[sflag:s8] =	ssyncset.done $0x0  }
0x11: {  	[sflag:s8] =	ssyncadd.s32 $0xFFFFFE00  }
0x12: {  	s9 =	simm.s32 $0x80;
	s10 =	simm.s32 $0x200;
	[bflag:$0x0] =	sbarrier.arrive $0xFFFF  }
0x13: {  	[tilespmem:s10], [sflag:$0x1] =	stream.indirect.gather [spmem:s1], $0x80, s2, s9, $0xb8;
	[tilespmem:$0x12140] =	vst v63  }
0x14: {  	s11 =	simm.s32 $0x4200  }
0x15: {  	[tilespmem:s11], [sflag:$0x2] =	stream.indirect.gather [spmem:s1], $0x80, s9, s9, $0xb8;
	[tilespmem:$0x12140] =	vst v63  }
0x16: {  	s12 =	simm.s32 $0x100;
	s13 =	simm.s32 $0x8200  }
0x17: {  	[tilespmem:s13], [sflag:$0x3] =	stream.indirect.gather [spmem:s1], $0x80, s12, s9, $0xb8;
	[tilespmem:$0x12140] =	vst v63  }
0x18: {  	s14 =	simm.s32 $0x180;
	s15 =	simm.s32 $0xC200;
	s16 =	simm.s32 $0x1  }
0x19: {  	[tilespmem:s15], [sflag:$0x4] =	stream.indirect.gather [spmem:s1], $0x80, s14, s9, $0xb8;
	[tilespmem:$0x12140] =	vst v63  }
0x1a: {  	s18 =	sshll.u32 s18, $0xE;
	s19 =	sshll.u32 s25, $0xD;
	_ =	swait.ge [sflag:s16], $0x4000  }
0x1b: {  	s18 =	sor.u32 s19, s18;
	[sflag:s16] =	ssyncset.done $0x0  }
0x1c: {  	s17 =	sadd.s32 s17, s18;
	s18 =	simm.s32 $0x2;
	[sflag:s16] =	ssyncadd.s32 $0xFFFFC000  }
0x1d: {  	[hbm4b:s17+s2] =	stream.linear.scatter [tilespmem:s10], [sflag:$0x5], $0x4000, $0x38;
	[tilespmem:$0x12140] =	vst v63  }
0x1e: {  	_ =	swait.ge [sflag:s18], $0x4000  }
0x1f: {  	[sflag:s18] =	ssyncset.done $0x0  }
0x20: {  	s20 =	simm.s32 $0x3;
	s19 =	sadd.s32 $0x800, s17;
	[sflag:s18] =	ssyncadd.s32 $0xFFFFC000  }
0x21: {  	[hbm4b:s19+s2] =	stream.linear.scatter [tilespmem:s11], [sflag:$0x5], $0x4000, $0x38;
	[tilespmem:$0x12140] =	vst v63  }
0x22: {  	_ =	swait.ge [sflag:s20], $0x4000  }
0x23: {  	[sflag:s20] =	ssyncset.done $0x0  }
0x24: {  	s22 =	simm.s32 $0x4;
	s21 =	sadd.s32 $0x1000, s17;
	[sflag:s20] =	ssyncadd.s32 $0xFFFFC000  }
0x25: {  	[hbm4b:s21+s2] =	stream.linear.scatter [tilespmem:s13], [sflag:$0x5], $0x4000, $0x38;
	[tilespmem:$0x12140] =	vst v63  }
0x26: {  	_ =	swait.ge [sflag:s22], $0x4000  }
0x27: {  	[sflag:s22] =	ssyncset.done $0x0  }
0x28: {  	s23 =	simm.s32 $0x5;
	s24 =	sadd.s32 $0x1800, s17;
	[sflag:s22] =	ssyncadd.s32 $0xFFFFC000  }
0x29: {  	[hbm4b:s24+s2] =	stream.linear.scatter [tilespmem:s15], [sflag:$0x5], $0x4000, $0x38;
	[tilespmem:$0x12140] =	vst v63  }
0x2a: {  	s25 =	ssub.s32 $0x2, s25;
	_ =	swait.ge [sflag:s23], $0x4000  }
0x2b: {  	s26 =	sshrl.u32 s25, $0x1;
	[sflag:s23] =	ssyncset.done $0x0  }
0x2c: {  	s25 =	ssub.s32 s25, s26;
	[sflag:s23] =	ssyncadd.s32 $0xFFFFC000  }
0x2d: {  	s25 =	smax.u32 s25, $0x1;
	_ =	swait.ge [sflag:s23], $0x4000  }
0x2e: {  	s25 =	sadd.s32 $0xFFFFFFFF, s25;
	[sflag:s23] =	ssyncset.done $0x0  }
0x2f: {  	p1 =	sne.s32 s25, $0x0;
	[sflag:s23] =	ssyncadd.s32 $0xFFFFC000  }
.Ltmp0:
0x30: {  	_ =	swait.ge [sflag:s23], $0x4000;
	(pc) =	sbr.rel @!p1 .LBB2_2-.Ltmp0, $4  }
0x31: {  	[sflag:s23] =	ssyncset.done $0x0  }
0x32: {  	[sflag:s23] =	ssyncadd.s32 $0xFFFFC000  }
0x33: {  	_ =	swait.ge [sflag:s23], $0x4000  }
0x34: {  	[sflag:s23] =	ssyncset.done $0x0  }
.LBB2_1:
0x35: {  	[sflag:s23] =	ssyncadd.s32 $0xFFFFC000  }
0x36: {  	[tilespmem:s2], [sflag:$0x6] =	stream.linear.gather [hbm4b:s4+s2], $0x200, $0x38;
	[tilespmem:$0x12140] =	vst v63  }
0x37: {  	[spmem:s5], [sflag:s6] =	dma.local @!p0 [hbm:s3], $0x3E80  }
0x38: {  	s25 =	sadd.s32 $0xFFFFFFFF, s25;
	_ =	swait.ge @!p0 [sflag:s7], $0x3E80  }
0x39: {  	p1 =	sne.s32 s25, $0x0;
	[sflag:s7] =	ssyncset.done @!p0 $0x0  }
0x3a: {  	[sflag:s7] =	ssyncadd.s32 @!p0 $0xFFFFC180  }
0x3b: {  	_ =	swait.ge [sflag:s8], $0x200  }
0x3c: {  	[sflag:s8] =	ssyncset.done $0x0  }
0x3d: {  	[sflag:s8] =	ssyncadd.s32 $0xFFFFFE00  }
0x3e: {  	[bflag:$0x0] =	sbarrier.arrive $0xFFFF  }
0x3f: {  	[tilespmem:s10], [sflag:$0x1] =	stream.indirect.gather [spmem:s1], $0x80, s2, s9, $0xb8;
	[tilespmem:$0x12140] =	vst v63  }
0x40: {  	_ = 	snop  }
0x41: {  	[tilespmem:s11], [sflag:$0x2] =	stream.indirect.gather [spmem:s1], $0x80, s9, s9, $0xb8;
	[tilespmem:$0x12140] =	vst v63  }
0x42: {  	_ = 	snop  }
0x43: {  	[tilespmem:s13], [sflag:$0x3] =	stream.indirect.gather [spmem:s1], $0x80, s12, s9, $0xb8;
	[tilespmem:$0x12140] =	vst v63  }
0x44: {  	_ = 	snop  }
0x45: {  	[tilespmem:s15], [sflag:$0x4] =	stream.indirect.gather [spmem:s1], $0x80, s14, s9, $0xb8;
	[tilespmem:$0x12140] =	vst v63  }
0x46: {  	_ =	swait.ge [sflag:s16], $0x4000  }
0x47: {  	[sflag:s16] =	ssyncset.done $0x0  }
0x48: {  	[sflag:s16] =	ssyncadd.s32 $0xFFFFC000  }
0x49: {  	[hbm4b:s17+s2] =	stream.linear.scatter [tilespmem:s10], [sflag:$0x5], $0x4000, $0x38;
	[tilespmem:$0x12140] =	vst v63  }
0x4a: {  	_ =	swait.ge [sflag:s18], $0x4000  }
0x4b: {  	[sflag:s18] =	ssyncset.done $0x0  }
0x4c: {  	[sflag:s18] =	ssyncadd.s32 $0xFFFFC000  }
0x4d: {  	[hbm4b:s19+s2] =	stream.linear.scatter [tilespmem:s11], [sflag:$0x5], $0x4000, $0x38;
	[tilespmem:$0x12140] =	vst v63  }
0x4e: {  	_ =	swait.ge [sflag:s20], $0x4000  }
0x4f: {  	[sflag:s20] =	ssyncset.done $0x0  }
0x50: {  	[sflag:s20] =	ssyncadd.s32 $0xFFFFC000  }
0x51: {  	[hbm4b:s21+s2] =	stream.linear.scatter [tilespmem:s13], [sflag:$0x5], $0x4000, $0x38;
	[tilespmem:$0x12140] =	vst v63  }
0x52: {  	_ =	swait.ge [sflag:s22], $0x4000  }
0x53: {  	[sflag:s22] =	ssyncset.done $0x0  }
0x54: {  	[sflag:s22] =	ssyncadd.s32 $0xFFFFC000  }
0x55: {  	[hbm4b:s24+s2] =	stream.linear.scatter [tilespmem:s15], [sflag:$0x5], $0x4000, $0x38;
	[tilespmem:$0x12140] =	vst v63  }
0x56: {  	_ =	swait.ge [sflag:s23], $0x4000  }
0x57: {  	[sflag:s23] =	ssyncset.done $0x0  }
0x58: {  	[sflag:s23] =	ssyncadd.s32 $0xFFFFC000  }
0x59: {  	_ =	swait.ge [sflag:s23], $0x4000  }
0x5a: {  	[sflag:s23] =	ssyncset.done $0x0  }
0x5b: {  	[sflag:s23] =	ssyncadd.s32 $0xFFFFC000  }
.Ltmp1:
0x5c: {  	_ =	swait.ge [sflag:s23], $0x4000;
	(pc) =	sbr.rel @p1 .LBB2_1-.Ltmp1, $4  }
0x5d: {  	[sflag:s23] =	ssyncset.done $0x0  }
0x5e: {  	[sflag:s23] =	ssyncadd.s32 $0xFFFFC000  }
0x5f: {  	_ =	swait.ge [sflag:s23], $0x4000  }
0x60: {  	[sflag:s23] =	ssyncset.done $0x0  }
.LBB2_2:
0x61: {  	[sflag:s23] =	ssyncadd.s32 $0xFFFFC000  }
0x62: {  	_ =	sfence.sel $0x180000  }
0x63: {  	[bflag:$0x0] =	sbarrier.arrive $0xFFFF  }
0x64: {  	_ =	strace $0x90000047  }
0x65: {  	s0 =	sadd.s32 @!p0 $0x100000, s0;
	[bflag:$0x2] =	sbarrier.arrive $0xFFFF  }
0x66: {  	[sflag:s0] =	ssyncadd.tile.s32 @!p0 $0x1;
	_ =	shalt  }
.Lfunc_end2:
_tile_overlayer_lowered:
.L_overlay_start_2:
0x67: {  	(tag) =	ssettag $0x2  }
0x68: {  	s0 =	rddreg [dreg:$0x0];
	s2 =	stileid.u32  }
0x69: {  	s1 =	rddreg [dreg:$0x1];
	p0 =	sne.s32 s2, $0x0  }
0x6a: {  	s3 =	rddreg [dreg:$0x2];
	[bflag:$0x3] =	sbarrier.arrive $0xFFFF;
	s2 =	simm.s32 @!p0 $0x1C07  }
0x6b: {  	[timem:s3], [sflag:s2] =	dma.local @!p0 [hbm:s0], s1  }
0x6c: {  	s0 =	simm.s32 @!p0 $0x7  }
0x6d: {  	_ =	swait.ge @!p0 [sflag:s0], s1  }
0x6e: {  	s1 =	ssub.s32 @!p0 $0x0, s1;
	[sflag:s0] =	ssyncset.done @!p0 $0x0  }
0x6f: {  	[sflag:s0] =	ssyncadd.s32 @!p0 s1  }
0x70: {  	[bflag:$0x3] =	sbarrier.arrive $0xFFFF  }
0x71: {  	_ =	shalt  }

</sc_bundles>
